<compile_context>
chip_gen: v7x
topology: tpu7x:2x2x1
jax: 0.10.2.dev20260603
libtpu: 0.0.44.dev20260713+nightly
codegen_flags: <defaults>
</compile_context>

<pallas_src>
import functools

import jax
import jax.numpy as jnp
from jax import lax
from jax.experimental import pallas as pl
from jax.experimental.pallas import tpu as pltpu
from jax.experimental.pallas import tpu_sc as plsc

DIM = 2048
N_ROWS = 4 * 8192
NC, NS = 2, 16
NW = NC * NS
C = 8
NBUF = 4


def _make_sc_body(rows_per_worker):
    supersteps = rows_per_worker // (NBUF * C)

    def _gather_body(table_hbm, idx_hbm, out_hbm, idx_v, *rest):
        bufs = rest[:NBUF]
        gsems = rest[NBUF:2 * NBUF]
        osems = rest[2 * NBUF:]

        wid = lax.axis_index("s") * NC + lax.axis_index("c")
        base = wid * rows_per_worker

        pltpu.sync_copy(idx_hbm.at[pl.ds(base, rows_per_worker)], idx_v)

        def superstep(t, carry):
            for grp in range(2):
                gdescs = []
                for b in range(2):
                    i = grp * 2 + b
                    row0 = (t * NBUF + i) * C

                    @pl.when(t > 0)
                    def _drain(i=i):
                        pltpu.make_async_copy(
                            bufs[i], out_hbm.at[pl.ds(0, C)], osems[i]).wait()

                    gdescs.append(pltpu.async_copy(
                        table_hbm.at[idx_v.at[pl.ds(row0, C)]],
                        bufs[i], gsems[i]))
                for b in range(2):
                    i = grp * 2 + b
                    row0 = (t * NBUF + i) * C
                    gdescs[b].wait()
                    pltpu.async_copy(
                        bufs[i], out_hbm.at[pl.ds(base + row0, C)], osems[i])
            return carry

        lax.fori_loop(0, supersteps, superstep, 0)

        for i in range(NBUF):
            pltpu.make_async_copy(
                bufs[i], out_hbm.at[pl.ds(0, C)], osems[i]).wait()

    return _gather_body


@functools.lru_cache(maxsize=1)
def _build_sc_gather():
    rw = N_ROWS // NW
    mesh = plsc.VectorSubcoreMesh(
        core_axis_name="c", subcore_axis_name="s",
        num_cores=NC, num_subcores=NS)
    return pl.kernel(
        _make_sc_body(rw),
        out_type=jax.ShapeDtypeStruct((N_ROWS, DIM), jnp.float32),
        mesh=mesh,
        scratch_types=(
            [pltpu.VMEM((rw,), jnp.int32)]
            + [pltpu.VMEM((C, DIM), jnp.float32) for _ in range(NBUF)]
            + [pltpu.SemaphoreType.DMA for _ in range(2 * NBUF)]
        ),
    )


def kernel(position_ids, pe):
    idx = position_ids.reshape(N_ROWS)
    out = _build_sc_gather()(pe, idx)
    return out.reshape(position_ids.shape + (DIM,))

# --- scband reference (transcript-rebuilt; emitter-appended) ---
"""Pipeline reference for scband-sinusoidal-positional-embedding-2929167696292 (READ-ONLY COPY).

The authoritative reference and input builder live on the scoring server;
editing this copy changes nothing except your own understanding.
"""

import jax, jax.numpy as jnp
import numpy as np

DIM = 2048
MAX_LEN = 8192
BATCH = 4
SEQ = 8192

def build_pe(max_len, dim):
    position = jnp.arange(0, max_len, dtype=jnp.float32)[:, None]
    div_term = jnp.exp(jnp.arange(0, dim, 2, dtype=jnp.float32) * (-np.log(10000.0) / dim))
    pe = jnp.zeros((max_len, dim), dtype=jnp.float32)
    pe = pe.at[:, 0::2].set(jnp.sin(position * div_term))
    # dim is even, so cos fills all odd columns with full div_term
    pe = pe.at[:, 1::2].set(jnp.cos(position * div_term))
    return pe

def setup_inputs(seed: int = 0) -> dict:
    key = jax.random.key(seed)
    k1, _ = jax.random.split(key)
    position_ids = jax.random.randint(k1, (BATCH, SEQ), 0, MAX_LEN).astype(jnp.int32)
    pe = build_pe(MAX_LEN, DIM)
    return {"position_ids": position_ids, "pe": pe}

def reference(position_ids, pe):
    # out = pe[position_ids]  (gather over rows of the sinusoidal table)
    out = jnp.take(pe, position_ids, axis=0)
    return out

if __name__ == "__main__":
    import jax
    _d = setup_inputs()
    print(jax.jit(kernel)(*tuple(_d.values())))

</pallas_src>

<mosaic_0001>
#map = affine_map<(d0, d1) -> (0, 0)>
#map1 = affine_map<(d0, d1) -> (0)>
module attributes {stable_mosaic.version = 14 : i64} {
  func.func @_gather_body(%arg0: i32, %arg1: i32, %arg2: memref<8192x2048xf32, #tpu.memory_space<hbm>>, %arg3: memref<32768xi32, #tpu.memory_space<hbm>>, %arg4: memref<32768x2048xf32, #tpu.memory_space<hbm>>, %arg5: memref<1024xi32, #tpu.memory_space<vmem>>, %arg6: memref<8x2048xf32, #tpu.memory_space<vmem>>, %arg7: memref<8x2048xf32, #tpu.memory_space<vmem>>, %arg8: memref<8x2048xf32, #tpu.memory_space<vmem>>, %arg9: memref<8x2048xf32, #tpu.memory_space<vmem>>, %arg10: memref<!tpu.dma_semaphore, #tpu.memory_space<semaphore_mem>>, %arg11: memref<!tpu.dma_semaphore, #tpu.memory_space<semaphore_mem>>, %arg12: memref<!tpu.dma_semaphore, #tpu.memory_space<semaphore_mem>>, %arg13: memref<!tpu.dma_semaphore, #tpu.memory_space<semaphore_mem>>, %arg14: memref<!tpu.dma_semaphore, #tpu.memory_space<semaphore_mem>>, %arg15: memref<!tpu.dma_semaphore, #tpu.memory_space<semaphore_mem>>, %arg16: memref<!tpu.dma_semaphore, #tpu.memory_space<semaphore_mem>>, %arg17: memref<!tpu.dma_semaphore, #tpu.memory_space<semaphore_mem>>) attributes {dimension_semantics = [#tpu.dimension_semantics<core_parallel>, #tpu.dimension_semantics<subcore_parallel>], iteration_bounds = array<i64: 2, 16>, scalar_prefetch = 0 : i64, scratch_operands = 13 : i64, tpu.core_type = #tpu.core_type<sc_vector_subcore>, window_params = [{transform_indices = #map}, {transform_indices = #map1}, {transform_indices = #map}]} {
    %mul3A = arith.constant 2 : i32
    %mul3A_0 = arith.muli %arg1, %mul3A : i32
    %add3A = arith.addi %mul3A_0, %arg0 : i32
    %mul3A_1 = arith.constant 1024 : i32
    %mul3A_2 = arith.muli %add3A, %mul3A_1 : i32
    "tpu.region"() ({
      %run_scoped3A = tpu.sem_alloc : memref<!tpu.dma_semaphore, #tpu.memory_space<semaphore_mem>>
      %dma_start3A = tpu.memref_slice %arg3[%mul3A_2] : memref<32768xi32, #tpu.memory_space<hbm>> -> memref<1024xi32, #tpu.memory_space<hbm>>
      %dma_start3A_31 = tpu.memref_slice %arg3[%mul3A_2] : memref<32768xi32, #tpu.memory_space<hbm>> -> memref<1024xi32, #tpu.memory_space<hbm>>
      tpu.enqueue_dma source(%dma_start3A_31 : memref<1024xi32, #tpu.memory_space<hbm>>) target(%arg5 : memref<1024xi32, #tpu.memory_space<vmem>>) target_semaphore(%run_scoped3A : memref<!tpu.dma_semaphore, #tpu.memory_space<semaphore_mem>>)
      %dma_wait3A_32 = tpu.memref_slice %arg3[%mul3A_2] : memref<32768xi32, #tpu.memory_space<hbm>> -> memref<1024xi32, #tpu.memory_space<hbm>>
      %dma_wait3A_33 = tpu.memref_slice %arg3[%mul3A_2] : memref<32768xi32, #tpu.memory_space<hbm>> -> memref<1024xi32, #tpu.memory_space<hbm>>
      tpu.wait_dma2 semaphore(%run_scoped3A : memref<!tpu.dma_semaphore, #tpu.memory_space<semaphore_mem>>) src(%dma_wait3A_33 : memref<1024xi32, #tpu.memory_space<hbm>>) dst(%arg5 : memref<1024xi32, #tpu.memory_space<vmem>>)
      tpu.yield
    }) : () -> ()
    %scan3A = arith.constant 0 : i32
    %scan3A_3 = arith.constant 0 : i32
    %scan3A_4 = arith.constant 32 : i32
    %scan3A_5 = arith.addi %scan3A_3, %scan3A_4 : i32
    %scan3A_6 = arith.constant 1 : i32
    scf.for %scan3A_31 = %scan3A_3 to %scan3A_5 step %scan3A_6  : i32 {
      %mul3A_32 = arith.constant 4 : i32
      %mul3A_33 = arith.muli %scan3A_31, %mul3A_32 : i32
      %add3A_34 = arith.constant 0 : i32
      %add3A_35 = arith.addi %mul3A_33, %add3A_34 : i32
      %mul3A_36 = arith.constant 8 : i32
      %mul3A_37 = arith.muli %add3A_35, %mul3A_36 : i32
      %gt3A = arith.constant 0 : i32
      %gt3A_38 = arith.cmpi sgt, %scan3A_31, %gt3A : i32
      %convert_element_type3A = arith.extui %gt3A_38 : i1 to i32
      %cond3A = arith.constant 0 : i32
      %cond3A_39 = arith.cmpi ne, %convert_element_type3A, %cond3A : i32
      scf.if %cond3A_39 {
        %dma_wait3A_148 = arith.constant 0 : i32
        %dma_wait3A_149 = arith.constant 0 : i32
        %dma_wait3A_150 = tpu.memref_slice %arg4[%dma_wait3A_148, %dma_wait3A_149] : memref<32768x2048xf32, #tpu.memory_space<hbm>> -> memref<8x2048xf32, #tpu.memory_space<hbm>>
        %dma_wait3A_151 = arith.constant 0 : i32
        %dma_wait3A_152 = arith.constant 0 : i32
        %dma_wait3A_153 = tpu.memref_slice %arg4[%dma_wait3A_151, %dma_wait3A_152] : memref<32768x2048xf32, #tpu.memory_space<hbm>> -> memref<8x2048xf32, #tpu.memory_space<hbm>>
        tpu.wait_dma2 semaphore(%arg14 : memref<!tpu.dma_semaphore, #tpu.memory_space<semaphore_mem>>) src(%arg6 : memref<8x2048xf32, #tpu.memory_space<vmem>>) dst(%dma_wait3A_153 : memref<8x2048xf32, #tpu.memory_space<hbm>>)
      } else {
      }
      %dma_start3A = tpu.memref_slice %arg5[%mul3A_37] : memref<1024xi32, #tpu.memory_space<vmem>> -> memref<8xi32, #tpu.memory_space<vmem>>
      %dma_start3A_40 = arith.constant 0 : i32
      %dma_start3A_41 = arith.constant 0 : i32
      %dma_start3A_42 = tpu.memref_slice %arg2[%dma_start3A_40, %dma_start3A_41] : memref<8192x2048xf32, #tpu.memory_space<hbm>> -> memref<8192x2048xf32, #tpu.memory_space<hbm>>
      tpu.enqueue_indirect_dma source(%dma_start3A_42 : memref<8192x2048xf32, #tpu.memory_space<hbm>>) target(%arg6 : memref<8x2048xf32, #tpu.memory_space<vmem>>) offsets(%dma_start3A : memref<8xi32, #tpu.memory_space<vmem>>) semaphore(%arg10 : memref<!tpu.dma_semaphore, #tpu.memory_space<semaphore_mem>>)
      %mul3A_43 = arith.constant 4 : i32
      %mul3A_44 = arith.muli %scan3A_31, %mul3A_43 : i32
      %add3A_45 = arith.constant 1 : i32
      %add3A_46 = arith.addi %mul3A_44, %add3A_45 : i32
      %mul3A_47 = arith.constant 8 : i32
      %mul3A_48 = arith.muli %add3A_46, %mul3A_47 : i32
      %gt3A_49 = arith.constant 0 : i32
      %gt3A_50 = arith.cmpi sgt, %scan3A_31, %gt3A_49 : i32
      %convert_element_type3A_51 = arith.extui %gt3A_50 : i1 to i32
      %cond3A_52 = arith.constant 0 : i32
      %cond3A_53 = arith.cmpi ne, %convert_element_type3A_51, %cond3A_52 : i32
      scf.if %cond3A_53 {
        %dma_wait3A_148 = arith.constant 0 : i32
        %dma_wait3A_149 = arith.constant 0 : i32
        %dma_wait3A_150 = tpu.memref_slice %arg4[%dma_wait3A_148, %dma_wait3A_149] : memref<32768x2048xf32, #tpu.memory_space<hbm>> -> memref<8x2048xf32, #tpu.memory_space<hbm>>
        %dma_wait3A_151 = arith.constant 0 : i32
        %dma_wait3A_152 = arith.constant 0 : i32
        %dma_wait3A_153 = tpu.memref_slice %arg4[%dma_wait3A_151, %dma_wait3A_152] : memref<32768x2048xf32, #tpu.memory_space<hbm>> -> memref<8x2048xf32, #tpu.memory_space<hbm>>
        tpu.wait_dma2 semaphore(%arg15 : memref<!tpu.dma_semaphore, #tpu.memory_space<semaphore_mem>>) src(%arg7 : memref<8x2048xf32, #tpu.memory_space<vmem>>) dst(%dma_wait3A_153 : memref<8x2048xf32, #tpu.memory_space<hbm>>)
      } else {
      }
      %dma_start3A_54 = tpu.memref_slice %arg5[%mul3A_48] : memref<1024xi32, #tpu.memory_space<vmem>> -> memref<8xi32, #tpu.memory_space<vmem>>
      %dma_start3A_55 = arith.constant 0 : i32
      %dma_start3A_56 = arith.constant 0 : i32
      %dma_start3A_57 = tpu.memref_slice %arg2[%dma_start3A_55, %dma_start3A_56] : memref<8192x2048xf32, #tpu.memory_space<hbm>> -> memref<8192x2048xf32, #tpu.memory_space<hbm>>
      tpu.enqueue_indirect_dma source(%dma_start3A_57 : memref<8192x2048xf32, #tpu.memory_space<hbm>>) target(%arg7 : memref<8x2048xf32, #tpu.memory_space<vmem>>) offsets(%dma_start3A_54 : memref<8xi32, #tpu.memory_space<vmem>>) semaphore(%arg11 : memref<!tpu.dma_semaphore, #tpu.memory_space<semaphore_mem>>)
      %mul3A_58 = arith.constant 4 : i32
      %mul3A_59 = arith.muli %scan3A_31, %mul3A_58 : i32
      %add3A_60 = arith.constant 0 : i32
      %add3A_61 = arith.addi %mul3A_59, %add3A_60 : i32
      %mul3A_62 = arith.constant 8 : i32
      %mul3A_63 = arith.muli %add3A_61, %mul3A_62 : i32
      %dma_wait3A_64 = tpu.memref_slice %arg5[%mul3A_37] : memref<1024xi32, #tpu.memory_space<vmem>> -> memref<8xi32, #tpu.memory_space<vmem>>
      %dma_wait3A_65 = arith.constant 0 : i32
      %dma_wait3A_66 = arith.constant 0 : i32
      %dma_wait3A_67 = tpu.memref_slice %arg2[%dma_wait3A_65, %dma_wait3A_66] : memref<8192x2048xf32, #tpu.memory_space<hbm>> -> memref<8192x2048xf32, #tpu.memory_space<hbm>>
      tpu.wait_indirect_dma semaphore(%arg10 : memref<!tpu.dma_semaphore, #tpu.memory_space<semaphore_mem>>) src(%dma_wait3A_67 : memref<8192x2048xf32, #tpu.memory_space<hbm>>) dst(%arg6 : memref<8x2048xf32, #tpu.memory_space<vmem>>)
      %add3A_68 = arith.addi %mul3A_2, %mul3A_63 : i32
      %dma_start3A_69 = arith.constant 0 : i32
      %dma_start3A_70 = tpu.memref_slice %arg4[%add3A_68, %dma_start3A_69] : memref<32768x2048xf32, #tpu.memory_space<hbm>> -> memref<8x2048xf32, #tpu.memory_space<hbm>>
      %dma_start3A_71 = arith.constant 0 : i32
      %dma_start3A_72 = tpu.memref_slice %arg4[%add3A_68, %dma_start3A_71] : memref<32768x2048xf32, #tpu.memory_space<hbm>> -> memref<8x2048xf32, #tpu.memory_space<hbm>>
      tpu.enqueue_dma source(%arg6 : memref<8x2048xf32, #tpu.memory_space<vmem>>) target(%dma_start3A_72 : memref<8x2048xf32, #tpu.memory_space<hbm>>) target_semaphore(%arg14 : memref<!tpu.dma_semaphore, #tpu.memory_space<semaphore_mem>>)
      %mul3A_73 = arith.constant 4 : i32
      %mul3A_74 = arith.muli %scan3A_31, %mul3A_73 : i32
      %add3A_75 = arith.constant 1 : i32
      %add3A_76 = arith.addi %mul3A_74, %add3A_75 : i32
      %mul3A_77 = arith.constant 8 : i32
      %mul3A_78 = arith.muli %add3A_76, %mul3A_77 : i32
      %dma_wait3A_79 = tpu.memref_slice %arg5[%mul3A_48] : memref<1024xi32, #tpu.memory_space<vmem>> -> memref<8xi32, #tpu.memory_space<vmem>>
      %dma_wait3A_80 = arith.constant 0 : i32
      %dma_wait3A_81 = arith.constant 0 : i32
      %dma_wait3A_82 = tpu.memref_slice %arg2[%dma_wait3A_80, %dma_wait3A_81] : memref<8192x2048xf32, #tpu.memory_space<hbm>> -> memref<8192x2048xf32, #tpu.memory_space<hbm>>
      tpu.wait_indirect_dma semaphore(%arg11 : memref<!tpu.dma_semaphore, #tpu.memory_space<semaphore_mem>>) src(%dma_wait3A_82 : memref<8192x2048xf32, #tpu.memory_space<hbm>>) dst(%arg7 : memref<8x2048xf32, #tpu.memory_space<vmem>>)
      %add3A_83 = arith.addi %mul3A_2, %mul3A_78 : i32
      %dma_start3A_84 = arith.constant 0 : i32
      %dma_start3A_85 = tpu.memref_slice %arg4[%add3A_83, %dma_start3A_84] : memref<32768x2048xf32, #tpu.memory_space<hbm>> -> memref<8x2048xf32, #tpu.memory_space<hbm>>
      %dma_start3A_86 = arith.constant 0 : i32
      %dma_start3A_87 = tpu.memref_slice %arg4[%add3A_83, %dma_start3A_86] : memref<32768x2048xf32, #tpu.memory_space<hbm>> -> memref<8x2048xf32, #tpu.memory_space<hbm>>
      tpu.enqueue_dma source(%arg7 : memref<8x2048xf32, #tpu.memory_space<vmem>>) target(%dma_start3A_87 : memref<8x2048xf32, #tpu.memory_space<hbm>>) target_semaphore(%arg15 : memref<!tpu.dma_semaphore, #tpu.memory_space<semaphore_mem>>)
      %mul3A_88 = arith.constant 4 : i32
      %mul3A_89 = arith.muli %scan3A_31, %mul3A_88 : i32
      %add3A_90 = arith.constant 2 : i32
      %add3A_91 = arith.addi %mul3A_89, %add3A_90 : i32
      %mul3A_92 = arith.constant 8 : i32
      %mul3A_93 = arith.muli %add3A_91, %mul3A_92 : i32
      %gt3A_94 = arith.constant 0 : i32
      %gt3A_95 = arith.cmpi sgt, %scan3A_31, %gt3A_94 : i32
      %convert_element_type3A_96 = arith.extui %gt3A_95 : i1 to i32
      %cond3A_97 = arith.constant 0 : i32
      %cond3A_98 = arith.cmpi ne, %convert_element_type3A_96, %cond3A_97 : i32
      scf.if %cond3A_98 {
        %dma_wait3A_148 = arith.constant 0 : i32
        %dma_wait3A_149 = arith.constant 0 : i32
        %dma_wait3A_150 = tpu.memref_slice %arg4[%dma_wait3A_148, %dma_wait3A_149] : memref<32768x2048xf32, #tpu.memory_space<hbm>> -> memref<8x2048xf32, #tpu.memory_space<hbm>>
        %dma_wait3A_151 = arith.constant 0 : i32
        %dma_wait3A_152 = arith.constant 0 : i32
        %dma_wait3A_153 = tpu.memref_slice %arg4[%dma_wait3A_151, %dma_wait3A_152] : memref<32768x2048xf32, #tpu.memory_space<hbm>> -> memref<8x2048xf32, #tpu.memory_space<hbm>>
        tpu.wait_dma2 semaphore(%arg16 : memref<!tpu.dma_semaphore, #tpu.memory_space<semaphore_mem>>) src(%arg8 : memref<8x2048xf32, #tpu.memory_space<vmem>>) dst(%dma_wait3A_153 : memref<8x2048xf32, #tpu.memory_space<hbm>>)
      } else {
      }
      %dma_start3A_99 = tpu.memref_slice %arg5[%mul3A_93] : memref<1024xi32, #tpu.memory_space<vmem>> -> memref<8xi32, #tpu.memory_space<vmem>>
      %dma_start3A_100 = arith.constant 0 : i32
      %dma_start3A_101 = arith.constant 0 : i32
      %dma_start3A_102 = tpu.memref_slice %arg2[%dma_start3A_100, %dma_start3A_101] : memref<8192x2048xf32, #tpu.memory_space<hbm>> -> memref<8192x2048xf32, #tpu.memory_space<hbm>>
      tpu.enqueue_indirect_dma source(%dma_start3A_102 : memref<8192x2048xf32, #tpu.memory_space<hbm>>) target(%arg8 : memref<8x2048xf32, #tpu.memory_space<vmem>>) offsets(%dma_start3A_99 : memref<8xi32, #tpu.memory_space<vmem>>) semaphore(%arg12 : memref<!tpu.dma_semaphore, #tpu.memory_space<semaphore_mem>>)
      %mul3A_103 = arith.constant 4 : i32
      %mul3A_104 = arith.muli %scan3A_31, %mul3A_103 : i32
      %add3A_105 = arith.constant 3 : i32
      %add3A_106 = arith.addi %mul3A_104, %add3A_105 : i32
      %mul3A_107 = arith.constant 8 : i32
      %mul3A_108 = arith.muli %add3A_106, %mul3A_107 : i32
      %gt3A_109 = arith.constant 0 : i32
      %gt3A_110 = arith.cmpi sgt, %scan3A_31, %gt3A_109 : i32
      %convert_element_type3A_111 = arith.extui %gt3A_110 : i1 to i32
      %cond3A_112 = arith.constant 0 : i32
      %cond3A_113 = arith.cmpi ne, %convert_element_type3A_111, %cond3A_112 : i32
      scf.if %cond3A_113 {
        %dma_wait3A_148 = arith.constant 0 : i32
        %dma_wait3A_149 = arith.constant 0 : i32
        %dma_wait3A_150 = tpu.memref_slice %arg4[%dma_wait3A_148, %dma_wait3A_149] : memref<32768x2048xf32, #tpu.memory_space<hbm>> -> memref<8x2048xf32, #tpu.memory_space<hbm>>
        %dma_wait3A_151 = arith.constant 0 : i32
        %dma_wait3A_152 = arith.constant 0 : i32
        %dma_wait3A_153 = tpu.memref_slice %arg4[%dma_wait3A_151, %dma_wait3A_152] : memref<32768x2048xf32, #tpu.memory_space<hbm>> -> memref<8x2048xf32, #tpu.memory_space<hbm>>
        tpu.wait_dma2 semaphore(%arg17 : memref<!tpu.dma_semaphore, #tpu.memory_space<semaphore_mem>>) src(%arg9 : memref<8x2048xf32, #tpu.memory_space<vmem>>) dst(%dma_wait3A_153 : memref<8x2048xf32, #tpu.memory_space<hbm>>)
      } else {
      }
      %dma_start3A_114 = tpu.memref_slice %arg5[%mul3A_108] : memref<1024xi32, #tpu.memory_space<vmem>> -> memref<8xi32, #tpu.memory_space<vmem>>
      %dma_start3A_115 = arith.constant 0 : i32
      %dma_start3A_116 = arith.constant 0 : i32
      %dma_start3A_117 = tpu.memref_slice %arg2[%dma_start3A_115, %dma_start3A_116] : memref<8192x2048xf32, #tpu.memory_space<hbm>> -> memref<8192x2048xf32, #tpu.memory_space<hbm>>
      tpu.enqueue_indirect_dma source(%dma_start3A_117 : memref<8192x2048xf32, #tpu.memory_space<hbm>>) target(%arg9 : memref<8x2048xf32, #tpu.memory_space<vmem>>) offsets(%dma_start3A_114 : memref<8xi32, #tpu.memory_space<vmem>>) semaphore(%arg13 : memref<!tpu.dma_semaphore, #tpu.memory_space<semaphore_mem>>)
      %mul3A_118 = arith.constant 4 : i32
      %mul3A_119 = arith.muli %scan3A_31, %mul3A_118 : i32
      %add3A_120 = arith.constant 2 : i32
      %add3A_121 = arith.addi %mul3A_119, %add3A_120 : i32
      %mul3A_122 = arith.constant 8 : i32
      %mul3A_123 = arith.muli %add3A_121, %mul3A_122 : i32
      %dma_wait3A_124 = tpu.memref_slice %arg5[%mul3A_93] : memref<1024xi32, #tpu.memory_space<vmem>> -> memref<8xi32, #tpu.memory_space<vmem>>
      %dma_wait3A_125 = arith.constant 0 : i32
      %dma_wait3A_126 = arith.constant 0 : i32
      %dma_wait3A_127 = tpu.memref_slice %arg2[%dma_wait3A_125, %dma_wait3A_126] : memref<8192x2048xf32, #tpu.memory_space<hbm>> -> memref<8192x2048xf32, #tpu.memory_space<hbm>>
      tpu.wait_indirect_dma semaphore(%arg12 : memref<!tpu.dma_semaphore, #tpu.memory_space<semaphore_mem>>) src(%dma_wait3A_127 : memref<8192x2048xf32, #tpu.memory_space<hbm>>) dst(%arg8 : memref<8x2048xf32, #tpu.memory_space<vmem>>)
      %add3A_128 = arith.addi %mul3A_2, %mul3A_123 : i32
      %dma_start3A_129 = arith.constant 0 : i32
      %dma_start3A_130 = tpu.memref_slice %arg4[%add3A_128, %dma_start3A_129] : memref<32768x2048xf32, #tpu.memory_space<hbm>> -> memref<8x2048xf32, #tpu.memory_space<hbm>>
      %dma_start3A_131 = arith.constant 0 : i32
      %dma_start3A_132 = tpu.memref_slice %arg4[%add3A_128, %dma_start3A_131] : memref<32768x2048xf32, #tpu.memory_space<hbm>> -> memref<8x2048xf32, #tpu.memory_space<hbm>>
      tpu.enqueue_dma source(%arg8 : memref<8x2048xf32, #tpu.memory_space<vmem>>) target(%dma_start3A_132 : memref<8x2048xf32, #tpu.memory_space<hbm>>) target_semaphore(%arg16 : memref<!tpu.dma_semaphore, #tpu.memory_space<semaphore_mem>>)
      %mul3A_133 = arith.constant 4 : i32
      %mul3A_134 = arith.muli %scan3A_31, %mul3A_133 : i32
      %add3A_135 = arith.constant 3 : i32
      %add3A_136 = arith.addi %mul3A_134, %add3A_135 : i32
      %mul3A_137 = arith.constant 8 : i32
      %mul3A_138 = arith.muli %add3A_136, %mul3A_137 : i32
      %dma_wait3A_139 = tpu.memref_slice %arg5[%mul3A_108] : memref<1024xi32, #tpu.memory_space<vmem>> -> memref<8xi32, #tpu.memory_space<vmem>>
      %dma_wait3A_140 = arith.constant 0 : i32
      %dma_wait3A_141 = arith.constant 0 : i32
      %dma_wait3A_142 = tpu.memref_slice %arg2[%dma_wait3A_140, %dma_wait3A_141] : memref<8192x2048xf32, #tpu.memory_space<hbm>> -> memref<8192x2048xf32, #tpu.memory_space<hbm>>
      tpu.wait_indirect_dma semaphore(%arg13 : memref<!tpu.dma_semaphore, #tpu.memory_space<semaphore_mem>>) src(%dma_wait3A_142 : memref<8192x2048xf32, #tpu.memory_space<hbm>>) dst(%arg9 : memref<8x2048xf32, #tpu.memory_space<vmem>>)
      %add3A_143 = arith.addi %mul3A_2, %mul3A_138 : i32
      %dma_start3A_144 = arith.constant 0 : i32
      %dma_start3A_145 = tpu.memref_slice %arg4[%add3A_143, %dma_start3A_144] : memref<32768x2048xf32, #tpu.memory_space<hbm>> -> memref<8x2048xf32, #tpu.memory_space<hbm>>
      %dma_start3A_146 = arith.constant 0 : i32
      %dma_start3A_147 = tpu.memref_slice %arg4[%add3A_143, %dma_start3A_146] : memref<32768x2048xf32, #tpu.memory_space<hbm>> -> memref<8x2048xf32, #tpu.memory_space<hbm>>
      tpu.enqueue_dma source(%arg9 : memref<8x2048xf32, #tpu.memory_space<vmem>>) target(%dma_start3A_147 : memref<8x2048xf32, #tpu.memory_space<hbm>>) target_semaphore(%arg17 : memref<!tpu.dma_semaphore, #tpu.memory_space<semaphore_mem>>)
    }
    %scan3A_7 = arith.constant 32 : i32
    %dma_wait3A = arith.constant 0 : i32
    %dma_wait3A_8 = arith.constant 0 : i32
    %dma_wait3A_9 = tpu.memref_slice %arg4[%dma_wait3A, %dma_wait3A_8] : memref<32768x2048xf32, #tpu.memory_space<hbm>> -> memref<8x2048xf32, #tpu.memory_space<hbm>>
    %dma_wait3A_10 = arith.constant 0 : i32
    %dma_wait3A_11 = arith.constant 0 : i32
    %dma_wait3A_12 = tpu.memref_slice %arg4[%dma_wait3A_10, %dma_wait3A_11] : memref<32768x2048xf32, #tpu.memory_space<hbm>> -> memref<8x2048xf32, #tpu.memory_space<hbm>>
    tpu.wait_dma2 semaphore(%arg14 : memref<!tpu.dma_semaphore, #tpu.memory_space<semaphore_mem>>) src(%arg6 : memref<8x2048xf32, #tpu.memory_space<vmem>>) dst(%dma_wait3A_12 : memref<8x2048xf32, #tpu.memory_space<hbm>>)
    %dma_wait3A_13 = arith.constant 0 : i32
    %dma_wait3A_14 = arith.constant 0 : i32
    %dma_wait3A_15 = tpu.memref_slice %arg4[%dma_wait3A_13, %dma_wait3A_14] : memref<32768x2048xf32, #tpu.memory_space<hbm>> -> memref<8x2048xf32, #tpu.memory_space<hbm>>
    %dma_wait3A_16 = arith.constant 0 : i32
    %dma_wait3A_17 = arith.constant 0 : i32
    %dma_wait3A_18 = tpu.memref_slice %arg4[%dma_wait3A_16, %dma_wait3A_17] : memref<32768x2048xf32, #tpu.memory_space<hbm>> -> memref<8x2048xf32, #tpu.memory_space<hbm>>
    tpu.wait_dma2 semaphore(%arg15 : memref<!tpu.dma_semaphore, #tpu.memory_space<semaphore_mem>>) src(%arg7 : memref<8x2048xf32, #tpu.memory_space<vmem>>) dst(%dma_wait3A_18 : memref<8x2048xf32, #tpu.memory_space<hbm>>)
    %dma_wait3A_19 = arith.constant 0 : i32
    %dma_wait3A_20 = arith.constant 0 : i32
    %dma_wait3A_21 = tpu.memref_slice %arg4[%dma_wait3A_19, %dma_wait3A_20] : memref<32768x2048xf32, #tpu.memory_space<hbm>> -> memref<8x2048xf32, #tpu.memory_space<hbm>>
    %dma_wait3A_22 = arith.constant 0 : i32
    %dma_wait3A_23 = arith.constant 0 : i32
    %dma_wait3A_24 = tpu.memref_slice %arg4[%dma_wait3A_22, %dma_wait3A_23] : memref<32768x2048xf32, #tpu.memory_space<hbm>> -> memref<8x2048xf32, #tpu.memory_space<hbm>>
    tpu.wait_dma2 semaphore(%arg16 : memref<!tpu.dma_semaphore, #tpu.memory_space<semaphore_mem>>) src(%arg8 : memref<8x2048xf32, #tpu.memory_space<vmem>>) dst(%dma_wait3A_24 : memref<8x2048xf32, #tpu.memory_space<hbm>>)
    %dma_wait3A_25 = arith.constant 0 : i32
    %dma_wait3A_26 = arith.constant 0 : i32
    %dma_wait3A_27 = tpu.memref_slice %arg4[%dma_wait3A_25, %dma_wait3A_26] : memref<32768x2048xf32, #tpu.memory_space<hbm>> -> memref<8x2048xf32, #tpu.memory_space<hbm>>
    %dma_wait3A_28 = arith.constant 0 : i32
    %dma_wait3A_29 = arith.constant 0 : i32
    %dma_wait3A_30 = tpu.memref_slice %arg4[%dma_wait3A_28, %dma_wait3A_29] : memref<32768x2048xf32, #tpu.memory_space<hbm>> -> memref<8x2048xf32, #tpu.memory_space<hbm>>
    tpu.wait_dma2 semaphore(%arg17 : memref<!tpu.dma_semaphore, #tpu.memory_space<semaphore_mem>>) src(%arg9 : memref<8x2048xf32, #tpu.memory_space<vmem>>) dst(%dma_wait3A_30 : memref<8x2048xf32, #tpu.memory_space<hbm>>)
    return
  }
}

</mosaic_0001>

<sc_bundles>
// kernel: kernel.3.cloned.1.call-start
scs
__scs_entry_jumppad:
0x0: {  	(pc) =	sbr.rel $0x88, $3  }
0x1: {  	(tag) =	ssettag $0x0;
	lr =	simm.s32 $0x1  }
0x2: {  	[smem:$0x3F9F] =	sst lr;
	_ =	strace $0xD0000000  }
0x3: {  	_ = 	snop  }
0x4: {  	_ = 	snop  }
0x5: {  	_ = 	snop  }
0x6: {  	_ = 	snop  }
0x7: {  	_ = 	snop  }
__scs_overlays_trampoline_lowered:
0x8: {  	[smem:$0x3FAE] =	sst s0  }
0x9: {  	[smem:$0x3FAF] =	sst s1  }
0xa: {  	[smem:$0x3FB0] =	sst s2  }
0xb: {  	[smem:$0x3FB1] =	sst s3  }
0xc: {  	[smem:$0x3FB2] =	sst s4  }
0xd: {  	[smem:$0x3FB3] =	sst s5  }
0xe: {  	[smem:$0x3FB4] =	sst s6  }
0xf: {  	[smem:$0x3FB5] =	sst s7  }
0x10: {  	[smem:$0x3FB6] =	sst s8  }
0x11: {  	[smem:$0x3FB7] =	sst s9;
	s0 =	simm.s32 @!p0 $0x0  }
0x12: {  	s1 =	sld [smem:$0x3F9D];
	s0 =	simm.s32 @p0 $0x1  }
0x13: {  	[smem:$0x3FB8] =	sst s0;
	s0 =	simm.s32 @!p1 $0x0  }
0x14: {  	s2 =	sld [smem:$0x3F9C];
	s0 =	simm.s32 @p1 $0x1  }
0x15: {  	[smem:$0x3FB9] =	sst s0;
	s0 =	simm.s32 @!p2 $0x0  }
0x16: {  	s3 =	sld [smem:$0x3FDB];
	s0 =	simm.s32 @p2 $0x1  }
0x17: {  	s4 =	simm.s32 $0x1BF5;
	[smem:$0x3FBB] =	sst s0  }
0x18: {  	s0 =	sld [smem:$0x3F9E];
	_ =	swait.ge [sflag:s4], $0x0  }
0x19: {  	s7 =	sld [smem:$0x3F9F]  }
0x1a: {  	s8 =	sadd.s32 $0xFFFFE003, lr  }
0x1b: {  	s9 =	sadd.s32 $0xFFFFFEF7, lr;
	s5 =	simm.s32 $0xFFFFFFFF;
	p2 =	slt.u32 s8, $0xFFFFF086  }
0x1c: {  	p1 =	slt.u32 s9, $0xF7A;
	s5 =	simm.s32 @!p2 $0x0  }
0x1d: {  	s5 =	simm.s32 @p1 $0x1;
	p0 =	seq.s32 s7, s2  }
0x1e: {  	s7 =	smul.u32 @!p0 $0xF7A, s2;
	p2 =	seq.s32 @!p0 s5, $0x0  }
0x1f: {  	s9 =	smul.u32 $0xF7A, s1;
	s8 =	simm.s32 @!p0 $0x1BF5;
	p2 =	por !p2, p0  }
0x20: {  	[sflag:s8] =	ssyncset.s32 @!p0 $0xFFFFF086;
	s6 =	sadd.s32 @!p0 s3, s7;
	s7 =	simm.s32 @!p0 $0x108  }
0x21: {  	s3 =	sadd.s32 s3, s9;
	s6 =	sadd.s32 @!p0 $0x88, s6;
	s7 =	simm.s32 @p2 $0x1082  }
0x22: {  	[simem:s7], [sflag:s8] =	dma.local @!p0 [hbm:s6], $0xF7A  }
0x23: {  	s9 =	sor.u32 $0xD0000000, s2;
	s6 =	simm.s32 $0x108;
	_ =	swait.ge @!p0 [sflag:s8], $0x0  }
0x24: {  	s3 =	sadd.s32 $0x88, s3;
	s6 =	simm.s32 @!p1 $0x1082;
	[sflag:s4] =	ssyncset.s32 $0xFFFFF086  }
0x25: {  	[simem:s6], [sflag:s4] =	dma.local [hbm:s3], $0xF7A  }
0x26: {  	[smem:$0x3F9F] =	sst s1;
	(tag) =	ssettag s2;
	_ =	strace s9  }
0x27: {  	s1 =	sld [smem:$0x3FAF]  }
0x28: {  	s2 =	sld [smem:$0x3FB0]  }
0x29: {  	s4 =	sld [smem:$0x3FB2]  }
0x2a: {  	p0 =	seq.s32 s5, $0x0;
	s5 =	sld [smem:$0x3FB3]  }
0x2b: {  	s6 =	sld [smem:$0x3FB4]  }
0x2c: {  	s7 =	sld [smem:$0x3FB5]  }
0x2d: {  	s3 =	simm.s32 $0x108;
	s8 =	sld [smem:$0x3FB6]  }
0x2e: {  	s3 =	simm.s32 @!p0 $0x1082;
	s9 =	sld [smem:$0x3FB7]  }
0x2f: {  	lr =	sadd.s32 s0, s3;
	s0 =	sld [smem:$0x3FAE]  }
0x30: {  	s3 =	sld [smem:$0x3FB1]  }
0x31: {  	[smem:$0x3FBA] =	sst s10  }
0x32: {  	s10 =	sld [smem:$0x3FB8];
	_ =	sdelay $0x3  }
0x33: {  	p0 =	seq.s32 s10, $0x1;
	s10 =	sld [smem:$0x3FBA];
	_ =	sdelay $0x3  }
0x34: {  	[smem:$0x3FBA] =	sst s10  }
0x35: {  	s10 =	sld [smem:$0x3FB9];
	_ =	sdelay $0x3  }
0x36: {  	p1 =	seq.s32 s10, $0x1;
	s10 =	sld [smem:$0x3FBA];
	_ =	sdelay $0x3  }
0x37: {  	[smem:$0x3FBA] =	sst s10  }
0x38: {  	s10 =	sld [smem:$0x3FBB]  }
0x39: {  	_ = 	snop;
	(pc) =	sbr.ind lr, $3  }
0x3a: {  	_ = 	snop  }
0x3b: {  	_ = 	snop  }
0x3c: {  	p2 =	seq.s32 s10, $0x1;
	s10 =	sld [smem:$0x3FBA]  }
0x3d: {  	_ =	shalt  }
0x3e: {  	_ =	shalt  }
0x3f: {  	_ =	shalt  }
0x40: {  	_ =	shalt  }
0x41: {  	_ =	shalt  }
0x42: {  	_ =	shalt  }
0x43: {  	_ =	shalt  }
0x44: {  	_ =	shalt  }
0x45: {  	_ =	shalt  }
0x46: {  	_ =	shalt  }
0x47: {  	_ =	shalt  }
0x48: {  	_ =	shalt  }
0x49: {  	_ =	shalt  }
0x4a: {  	_ =	shalt  }
0x4b: {  	_ =	shalt  }
0x4c: {  	_ =	shalt  }
0x4d: {  	_ =	shalt  }
0x4e: {  	_ =	shalt  }
0x4f: {  	_ =	shalt  }
0x50: {  	_ =	shalt  }
0x51: {  	_ =	shalt  }
0x52: {  	_ =	shalt  }
0x53: {  	_ =	shalt  }
0x54: {  	_ =	shalt  }
0x55: {  	_ =	shalt  }
0x56: {  	_ =	shalt  }
0x57: {  	_ =	shalt  }
0x58: {  	_ =	shalt  }
0x59: {  	_ =	shalt  }
0x5a: {  	_ =	shalt  }
0x5b: {  	_ =	shalt  }
0x5c: {  	_ =	shalt  }
0x5d: {  	_ =	shalt  }
0x5e: {  	_ =	shalt  }
0x5f: {  	_ =	shalt  }
0x60: {  	_ =	shalt  }
0x61: {  	_ =	shalt  }
0x62: {  	_ =	shalt  }
0x63: {  	_ =	shalt  }
0x64: {  	_ =	shalt  }
0x65: {  	_ =	shalt  }
0x66: {  	_ =	shalt  }
0x67: {  	_ =	shalt  }
0x68: {  	_ =	shalt  }
0x69: {  	_ =	shalt  }
0x6a: {  	_ =	shalt  }
0x6b: {  	_ =	shalt  }
0x6c: {  	_ =	shalt  }
0x6d: {  	_ =	shalt  }
0x6e: {  	_ =	shalt  }
0x6f: {  	_ =	shalt  }
0x70: {  	_ =	shalt  }
0x71: {  	_ =	shalt  }
0x72: {  	_ =	shalt  }
0x73: {  	_ =	shalt  }
0x74: {  	_ =	shalt  }
0x75: {  	_ =	shalt  }
0x76: {  	_ =	shalt  }
0x77: {  	_ =	shalt  }
0x78: {  	_ =	shalt  }
0x79: {  	_ =	shalt  }
0x7a: {  	_ =	shalt  }
0x7b: {  	_ =	shalt  }
0x7c: {  	_ =	shalt  }
0x7d: {  	_ =	shalt  }
0x7e: {  	_ =	shalt  }
0x7f: {  	_ =	shalt  }
0x80: {  	_ =	shalt  }
0x81: {  	_ =	shalt  }
0x82: {  	_ =	shalt  }
0x83: {  	_ =	shalt  }
0x84: {  	_ =	shalt  }
0x85: {  	_ =	shalt  }
0x86: {  	_ =	shalt  }
0x87: {  	_ =	shalt  }
.Lfunc_end0:
.L_simem_size_0:
called_computation_lowered:
.L_overlay_start_0:
0x88: {  	s2 =	sld [smem:$0x3FD9]  }
0x89: {  	s3 =	sld [smem:$0x3FFE];
	_ =	sdelay $0x1  }
0x8a: {  	s1 =	srdreg.scid  }
0x8b: {  	s0 =	sand.u32 $0x1, s1  }
0x8c: {  	s17 =	sshll.u32 s0, $0xA;
	s2 =	sadd.s32 s3, s2  }
0x8d: {  	s2 =	sadd.s32 s2, s17  }
0x8e: {  	[smem:$0x3FC6] =	sst s2  }
0x8f: {  	_ = 	snop  }
0x90: {  	s2 =	sld [smem:$0x3FC8]  }
0x91: {  	s18 =	sld [smem:$0x3FD0];
	(tm) =	ssettm $0x1  }
0x92: {  	s4 =	sld [smem:$0x3FFB];
	_ =	sdelay $0x3  }
0x93: {  	_ =	strace s4  }
0x94: {  	s4 =	sld [smem:$0x3FFC];
	_ =	sdelay $0x3  }
0x95: {  	_ =	strace s4  }
0x96: {  	s4 =	sld [smem:$0x3FFD];
	_ =	sdelay $0x3  }
0x97: {  	_ =	strace s4  }
0x98: {  	_ =	strace $0x8FFFFFFF  }
0x99: {  	s19 =	sld [smem:$0x3FDB];
	_ =	sdelay $0x1  }
0x9a: {  	s5 =	simm.s32 $_scs_section_size  }
0x9b: {  	s6 =	simm.s32 $_size__tile_overlayer_lowered;
	s7 =	simm.s32 $_tile_overlayer_lowered  }
0x9c: {  	s22 =	simm.s32 $0x1BFF;
	s21 =	sshll.u32 s7, $0x1;
	s4 =	sadd.s32 s5, s19  }
0x9d: {  	s8 =	simm.s32 $0x0;
	s20 =	sshll.u32 s6, $0x1;
	s6 =	sadd.s32 s21, s4  }
0x9e: {  	[timem:s8], [sflag:s22] =	dma.local [hbm:s6], s20  }
0x9f: {  	_ =	swait.ge [sflag:s22], s20  }
0xa0: {  	s5 =	ssub.s32 $0x0, s20;
	[sflag:s22] =	ssyncset.done $0x0  }
0xa1: {  	[sflag:s22] =	ssyncadd.s32 s5;
	_ =	sdelay $0x1  }
0xa2: {  	s23 =	simm.s32 $0x1B8B  }
0xa3: {  	_ =	swait.ge [sflag:s23], $0x1  }
0xa4: {  	[sflag:s23] =	ssyncset.done $0x0  }
0xa5: {  	s25 =	simm.s32 $0x1B8E;
	s24 =	sld [smem:$0x3FFE];
	[sflag:s23] =	ssyncadd.s32 $0xFFFFFFFF  }
0xa6: {  	s26 =	simm.s32 $execute0_lowered;
	[smem:$0x3FD2] =	sst s25  }
0xa7: {  	s6 =	sshll.u32 s26, $0x1;
	_ =	strace $0x80000046;
	[dreg:$0x1] =	wrdreg $0xFFFFFFFF  }
0xa8: {  	s28 =	simm.s32 $_size_execute0_lowered;
	s4 =	sadd.s32 s4, s6;
	[dreg:$0x0] =	wrdreg $0x0  }
0xa9: {  	s6 =	sshll.u32 s28, $0x1;
	[dreg:$0x2] =	wrdreg s4  }
0xaa: {  	[dreg:$0x3] =	wrdreg s6  }
0xab: {  	[dreg:$0x4] =	wrdreg $0xC0  }
0xac: {  	_ =	task [dreg:s8], $0x5FFFF  }
0xad: {  	[dreg:$0x1] =	wrdreg $0xFFFFFFFF  }
0xae: {  	[dreg:$0x0] =	wrdreg $0x60  }
0xaf: {  	[dreg:$0x2] =	wrdreg s2  }
0xb0: {  	[dreg:$0x3] =	wrdreg s24  }
0xb1: {  	[dreg:$0x4] =	wrdreg s18  }
0xb2: {  	[dreg:$0x5] =	wrdreg $0x9  }
0xb3: {  	_ =	task.clear_ibuf [dreg:s8], $0x6FFFF;
	_ =	strace $0x90000046  }
0xb4: {  	s29 =	simm.s32 $0x9;
	_ =	strace $0x80000048  }
0xb5: {  	_ =	swait.ge [sflag:s29], $0x1  }
0xb6: {  	[sflag:s29] =	ssyncadd.s32 $0xFFFFFFFF  }
0xb7: {  	_ =	strace $0x90000048  }
0xb8: {  	_ =	sfence  }
0xb9: {  	s30 =	sld [smem:$0x0];
	_ =	sdelay $0x2  }
0xba: {  	s31 =	sshll.u32 s1, $0xD;
	s1 =	sshrl.u32 s1, $0x2  }
0xbb: {  	s3 =	sand.u32 $0x4000, s31;
	s1 =	sadd.s32 s1, s30  }
0xbc: {  	s0 =	sor.u32 s3, s0;
	s1 =	sshll.u32 s1, $0x11  }
0xbd: {  	s0 =	sor.u32 s1, s0  }
0xbe: {  	s0 =	sadd.s32 $0x8F2B, s0  }
0xbf: {  	[sflag:s0] =	ssyncadd.remote.s32 $0x1  }
0xc0: {  	_ =	sfence.sel $0xFFFF  }
0xc1: {  	[dreg:$0x0] =	wrdreg $0xFFFFFFFF;
	(pc) =	sbr.abs _section_cstart, $3  }
0xc2: {  	[dreg:$0x1] =	wrdreg $0xFFFFFFFF  }
0xc3: {  	_ =	task.clear_ibuf [dreg:s8], $0x2FFFF;
	_ =	strace $0x9FFFFFFF  }
0xc4: {  	(tm) =	ssettm $0x7FFFFFFF  }
0xc5: {  	_ =	shalt  }
tec
execute0_lowered:
.L_overlay_start_1:
0x0: {  	(tag) =	ssettag $0x1  }
0x1: {  	s1 =	rddreg [dreg:$0x0]  }
0x2: {  	s0 =	rddreg [dreg:$0x1]  }
0x3: {  	s2 =	rddreg [dreg:$0x2];
	s3 =	simm.s32 $0x0  }
0x4: {  	s4 =	srdreg.scid;
	s20 =	simm.s32 $0xC00;
	[smem:$0x7FF] =	sst s3  }
0x5: {  	s21 =	simm.s32 $0x1400;
	_ =	strace $0x80000047;
	[dreg:$0x5] =	wrdreg s20  }
0x6: {  	s6 =	stileid.u32;
	s23 =	simm.s32 $0x1C00;
	[dreg:$0x6] =	wrdreg s21  }
0x7: {  	s25 =	simm.s32 $0x2400;
	s26 =	simm.s32 $0x2C00;
	[dreg:$0x7] =	wrdreg s23  }
0x8: {  	s31 =	simm.s32 $0x3400;
	s7 =	simm.s32 $0x4C00;
	[dreg:$0x8] =	wrdreg s25  }
0x9: {  	s9 =	simm.s32 $0x5400;
	s5 =	sshll.u32 s6, $0x13;
	[dreg:$0x9] =	wrdreg s26  }
0xa: {  	s22 =	sshll.u32 s6, $0xB;
	s6 =	simm.s32 $0x3C00;
	[dreg:$0xa] =	wrdreg s31  }
0xb: {  	s10 =	simm.s32 $0x5C00;
	s11 =	simm.s32 $0x6400;
	[dreg:$0xb] =	wrdreg s6  }
0xc: {  	s13 =	simm.s32 $0x6C00;
	s14 =	simm.s32 $0x7400;
	[dreg:$0xc] =	wrdreg s7  }
0xd: {  	s15 =	simm.s32 $0x7C00;
	s16 =	simm.s32 $0x8C00;
	[dreg:$0xd] =	wrdreg s9  }
0xe: {  	s17 =	simm.s32 $0x9400;
	s18 =	simm.s32 $0x9C00;
	[dreg:$0xe] =	wrdreg s10  }
0xf: {  	s28 =	simm.s32 $0x7;
	s29 =	simm.s32 $0x8;
	[dreg:$0xf] =	wrdreg s11  }
0x10: {  	s30 =	simm.s32 $0x0;
	s4 =	sand.u32 $0x1, s4;
	[dreg:$0x10] =	wrdreg s13  }
0x11: {  	s2 =	sadd.s32 s5, s2;
	s19 =	sshll.u32 s4, $0x12;
	[dreg:$0x11] =	wrdreg s14  }
0x12: {  	s24 =	sshll.u32 s4, $0xA;
	s4 =	ssub.s32 $0x2, s4;
	[dreg:$0x12] =	wrdreg s15  }
0x13: {  	s6 =	sadd.s32 $0x200, s1;
	s7 =	sadd.s32 $0x300, s1;
	[dreg:$0x13] =	wrdreg s16  }
0x14: {  	s9 =	sadd.s32 $0x500, s1;
	s10 =	sadd.s32 $0x600, s1;
	[dreg:$0x14] =	wrdreg s17  }
0x15: {  	s11 =	sadd.s32 $0x700, s1;
	[dreg:$0x15] =	wrdreg s18;
	s21 =	simm.s32 $0xAC00  }
0x16: {  	s13 =	simm.s32 $0x9;
	s14 =	simm.s32 $0x400;
	s23 =	simm.s32 $0xBC00  }
0x17: {  	s15 =	simm.s32 $0x4400;
	s16 =	simm.s32 $0x1;
	s25 =	simm.s32 $0xD400  }
0x18: {  	s17 =	simm.s32 $0x2;
	s26 =	simm.s32 $0xDC00;
	[dreg:$0x17] =	wrdreg s21  }
0x19: {  	s18 =	simm.s32 $0x8400;
	s31 =	simm.s32 $0xE400;
	[dreg:$0x19] =	wrdreg s23  }
0x1a: {  	s2 =	sadd.s32 s19, s2;
	s5 =	sor.u32 s24, s22;
	[dreg:$0x1b] =	wrdreg s25  }
0x1b: {  	s8 =	sshrl.u32 s4, $0x1;
	s19 =	simm.s32 $0xA400;
	[dreg:$0x1c] =	wrdreg s26  }
0x1c: {  	s22 =	simm.s32 $0xB400;
	s24 =	simm.s32 $0xCC00;
	[dreg:$0x1d] =	wrdreg s31  }
0x1d: {  	s21 =	simm.s32 $0xF400;
	s23 =	simm.s32 $0x3;
	[dreg:$0x4] =	wrdreg s2  }
0x1e: {  	s25 =	simm.s32 $0x5;
	s26 =	simm.s32 $0x6;
	[dreg:$0x16] =	wrdreg s19  }
0x1f: {  	s5 =	sshrl.u32 s5, $0x3;
	s12 =	ssub.s32 s4, s8;
	[dreg:$0x18] =	wrdreg s22  }
0x20: {  	s8 =	sadd.s32 $0x400, s1;
	[dreg:$0x1a] =	wrdreg s24;
	s19 =	simm.s32 $0xC400  }
0x21: {  	v0 =	vlaneseq.u32;
	s22 =	simm.s32 $0xFC00;
	s0 =	sadd.s32 s5, s0;
	s20 =	smax.u32 s12, $0x1  }
0x22: {  	v1 =	vshrl.u32 v0, $0x3;
	s24 =	simm.s32 $0x4;
	s0 =	sadd.s32 $0x400, s0;
	[dreg:$0x1f] =	wrdreg s20  }
0x23: {  	vm0 =	vmmov $0xffff;
	v0 =	vand.u32 $0x7, v0;
	v1 =	vmul.u32 $0x8, v1;
	s5 =	sadd.s32 $0x100, s1;
	s20 =	simm.s32 $0xEC00;
	[dreg:$0x1e] =	wrdreg s0  }
.LBB2_1:
0x24: {  	s0 =	rddreg [dreg:$0x1e]  }
0x25: {  	[tilespmem:s3], [sflag:$0x9] =	stream.linear.gather [hbm4b:s0+s3], $0x400, $0x38;
	[tilespmem:$0x10400] =	vst v63  }
0x26: {  	_ =	swait.ge [sflag:s13], $0x400  }
0x27: {  	[sflag:s13] =	ssyncset.done $0x0  }
0x28: {  	s31 =	simm.s32 $0x10;
	s0 =	simm.s32 $0x0;
	[sflag:s13] =	ssyncadd.s32 $0xFFFFFC00  }
.LBB2_2:
0x29: {  	p0 =	seq.s32 s0, $0x0  }
0x2a: {  	s2 =	simm.s32 @!p0 $0x5  }
0x2b: {  	_ =	swait.ge @!p0 [sflag:s2], $0x4000  }
0x2c: {  	[sflag:s2] =	ssyncset.done @!p0 $0x0  }
0x2d: {  	[sflag:s2] =	ssyncadd.s32 @!p0 $0xFFFFC000  }
0x2e: {  	v2 =	vld.msk [tilespmem:s31+$0xFFFFFFF0], $0xff;
	_ =	sdelay $0x4  }
0x2f: {  	v3 =	vshll.u32 v2, $0x4  }
0x30: {  	v2 =	vand.u32 $0x7, v2;
	v3 =	vand.u32 $0xFFFFFF80, v3  }
0x31: {  	v2 =	vor.u32 v2, v3  }
0x32: {  	v2 =	vperm.xlane v2, v0;
	_ =	sdelay $0x1  }
0x33: {  	v2 =	vadd.s32 v1, v2;
	_ =	sdelay $0x4  }
0x34: {  	[tilespmem:s14], [sflag:$0x1] =	stream.indirect_vreg.gather [hbm4b:s1+s3], $0x80, v2, vm0, $0xb8;
	[tilespmem:$0x10400] =	vst v63  }
0x35: {  	s12 =	rddreg [dreg:$0x5]  }
0x36: {  	[tilespmem:s12], [sflag:$0x1] =	stream.indirect_vreg.gather [hbm4b:s5+s3], $0x80, v2, vm0, $0xb8;
	[tilespmem:$0x10400] =	vst v63  }
0x37: {  	s4 =	rddreg [dreg:$0x6]  }
0x38: {  	[tilespmem:s4], [sflag:$0x1] =	stream.indirect_vreg.gather [hbm4b:s6+s3], $0x80, v2, vm0, $0xb8;
	[tilespmem:$0x10400] =	vst v63  }
0x39: {  	s12 =	rddreg [dreg:$0x7]  }
0x3a: {  	[tilespmem:s12], [sflag:$0x1] =	stream.indirect_vreg.gather [hbm4b:s7+s3], $0x80, v2, vm0, $0xb8;
	[tilespmem:$0x10400] =	vst v63  }
0x3b: {  	s4 =	rddreg [dreg:$0x8]  }
0x3c: {  	[tilespmem:s4], [sflag:$0x1] =	stream.indirect_vreg.gather [hbm4b:s8+s3], $0x80, v2, vm0, $0xb8;
	[tilespmem:$0x10400] =	vst v63  }
0x3d: {  	s12 =	rddreg [dreg:$0x9]  }
0x3e: {  	[tilespmem:s12], [sflag:$0x1] =	stream.indirect_vreg.gather [hbm4b:s9+s3], $0x80, v2, vm0, $0xb8;
	[tilespmem:$0x10400] =	vst v63  }
0x3f: {  	s4 =	rddreg [dreg:$0xa]  }
0x40: {  	[tilespmem:s4], [sflag:$0x1] =	stream.indirect_vreg.gather [hbm4b:s10+s3], $0x80, v2, vm0, $0xb8;
	[tilespmem:$0x10400] =	vst v63  }
0x41: {  	s2 =	simm.s32 @!p0 $0x6;
	s12 =	rddreg [dreg:$0xb]  }
0x42: {  	[tilespmem:s12], [sflag:$0x1] =	stream.indirect_vreg.gather [hbm4b:s11+s3], $0x80, v2, vm0, $0xb8;
	[tilespmem:$0x10400] =	vst v63  }
0x43: {  	_ =	swait.ge @!p0 [sflag:s2], $0x4000  }
0x44: {  	[sflag:s2] =	ssyncset.done @!p0 $0x0  }
0x45: {  	[sflag:s2] =	ssyncadd.s32 @!p0 $0xFFFFC000  }
0x46: {  	v2 =	vld.msk [tilespmem:s31+$0xFFFFFFF8], $0xff;
	_ =	sdelay $0x4  }
0x47: {  	v3 =	vshll.u32 v2, $0x4  }
0x48: {  	v2 =	vand.u32 $0x7, v2;
	v3 =	vand.u32 $0xFFFFFF80, v3  }
0x49: {  	v2 =	vor.u32 v2, v3  }
0x4a: {  	v2 =	vperm.xlane v2, v0;
	_ =	sdelay $0x1  }
0x4b: {  	v2 =	vadd.s32 v1, v2;
	_ =	sdelay $0x4  }
0x4c: {  	[tilespmem:s15], [sflag:$0x2] =	stream.indirect_vreg.gather [hbm4b:s1+s3], $0x80, v2, vm0, $0xb8;
	[tilespmem:$0x10400] =	vst v63  }
0x4d: {  	s12 =	rddreg [dreg:$0xc]  }
0x4e: {  	[tilespmem:s12], [sflag:$0x2] =	stream.indirect_vreg.gather [hbm4b:s5+s3], $0x80, v2, vm0, $0xb8;
	[tilespmem:$0x10400] =	vst v63  }
0x4f: {  	s4 =	rddreg [dreg:$0xd]  }
0x50: {  	[tilespmem:s4], [sflag:$0x2] =	stream.indirect_vreg.gather [hbm4b:s6+s3], $0x80, v2, vm0, $0xb8;
	[tilespmem:$0x10400] =	vst v63  }
0x51: {  	s12 =	rddreg [dreg:$0xe]  }
0x52: {  	[tilespmem:s12], [sflag:$0x2] =	stream.indirect_vreg.gather [hbm4b:s7+s3], $0x80, v2, vm0, $0xb8;
	[tilespmem:$0x10400] =	vst v63  }
0x53: {  	s4 =	rddreg [dreg:$0xf]  }
0x54: {  	[tilespmem:s4], [sflag:$0x2] =	stream.indirect_vreg.gather [hbm4b:s8+s3], $0x80, v2, vm0, $0xb8;
	[tilespmem:$0x10400] =	vst v63  }
0x55: {  	s12 =	rddreg [dreg:$0x10]  }
0x56: {  	[tilespmem:s12], [sflag:$0x2] =	stream.indirect_vreg.gather [hbm4b:s9+s3], $0x80, v2, vm0, $0xb8;
	[tilespmem:$0x10400] =	vst v63  }
0x57: {  	s4 =	rddreg [dreg:$0x11]  }
0x58: {  	[tilespmem:s4], [sflag:$0x2] =	stream.indirect_vreg.gather [hbm4b:s10+s3], $0x80, v2, vm0, $0xb8;
	[tilespmem:$0x10400] =	vst v63  }
0x59: {  	s12 =	rddreg [dreg:$0x12]  }
0x5a: {  	[tilespmem:s12], [sflag:$0x2] =	stream.indirect_vreg.gather [hbm4b:s11+s3], $0x80, v2, vm0, $0xb8;
	[tilespmem:$0x10400] =	vst v63  }
0x5b: {  	_ =	swait.ge [sflag:s16], $0x4000  }
0x5c: {  	s4 =	rddreg [dreg:$0x4];
	[sflag:s16] =	ssyncset.done $0x0  }
0x5d: {  	[sflag:s16] =	ssyncadd.s32 $0xFFFFC000;
	s2 =	sadd.s32 s0, s4  }
0x5e: {  	[hbm4b:s2+s3] =	stream.linear.scatter [tilespmem:s14], [sflag:$0x5], $0x4000, $0x38;
	[tilespmem:$0x10400] =	vst v63  }
0x5f: {  	_ =	swait.ge [sflag:s17], $0x4000  }
0x60: {  	[sflag:s17] =	ssyncset.done $0x0  }
0x61: {  	s4 =	simm.s32 @!p0 $0x7;
	s12 =	sadd.s32 $0x800, s2;
	[sflag:s17] =	ssyncadd.s32 $0xFFFFC000  }
0x62: {  	[hbm4b:s12+s3] =	stream.linear.scatter [tilespmem:s15], [sflag:$0x6], $0x4000, $0x38;
	[tilespmem:$0x10400] =	vst v63  }
0x63: {  	_ =	swait.ge @!p0 [sflag:s4], $0x4000  }
0x64: {  	[sflag:s4] =	ssyncset.done @!p0 $0x0  }
0x65: {  	[sflag:s4] =	ssyncadd.s32 @!p0 $0xFFFFC000  }
0x66: {  	v2 =	vld.msk [tilespmem:s31+$0x0], $0xff;
	_ =	sdelay $0x4  }
0x67: {  	v3 =	vshll.u32 v2, $0x4  }
0x68: {  	v2 =	vand.u32 $0x7, v2;
	v3 =	vand.u32 $0xFFFFFF80, v3  }
0x69: {  	v2 =	vor.u32 v2, v3  }
0x6a: {  	v2 =	vperm.xlane v2, v0;
	_ =	sdelay $0x1  }
0x6b: {  	v2 =	vadd.s32 v1, v2;
	_ =	sdelay $0x4  }
0x6c: {  	[tilespmem:s18], [sflag:$0x3] =	stream.indirect_vreg.gather [hbm4b:s1+s3], $0x80, v2, vm0, $0xb8;
	[tilespmem:$0x10400] =	vst v63  }
0x6d: {  	s4 =	rddreg [dreg:$0x13]  }
0x6e: {  	[tilespmem:s4], [sflag:$0x3] =	stream.indirect_vreg.gather [hbm4b:s5+s3], $0x80, v2, vm0, $0xb8;
	[tilespmem:$0x10400] =	vst v63  }
0x6f: {  	s12 =	rddreg [dreg:$0x14]  }
0x70: {  	[tilespmem:s12], [sflag:$0x3] =	stream.indirect_vreg.gather [hbm4b:s6+s3], $0x80, v2, vm0, $0xb8;
	[tilespmem:$0x10400] =	vst v63  }
0x71: {  	s4 =	rddreg [dreg:$0x15]  }
0x72: {  	[tilespmem:s4], [sflag:$0x3] =	stream.indirect_vreg.gather [hbm4b:s7+s3], $0x80, v2, vm0, $0xb8;
	[tilespmem:$0x10400] =	vst v63  }
0x73: {  	s12 =	rddreg [dreg:$0x16]  }
0x74: {  	[tilespmem:s12], [sflag:$0x3] =	stream.indirect_vreg.gather [hbm4b:s8+s3], $0x80, v2, vm0, $0xb8;
	[tilespmem:$0x10400] =	vst v63  }
0x75: {  	s4 =	rddreg [dreg:$0x17]  }
0x76: {  	[tilespmem:s4], [sflag:$0x3] =	stream.indirect_vreg.gather [hbm4b:s9+s3], $0x80, v2, vm0, $0xb8;
	[tilespmem:$0x10400] =	vst v63  }
0x77: {  	s12 =	rddreg [dreg:$0x18]  }
0x78: {  	[tilespmem:s12], [sflag:$0x3] =	stream.indirect_vreg.gather [hbm4b:s10+s3], $0x80, v2, vm0, $0xb8;
	[tilespmem:$0x10400] =	vst v63  }
0x79: {  	s4 =	rddreg [dreg:$0x19]  }
0x7a: {  	[tilespmem:s4], [sflag:$0x3] =	stream.indirect_vreg.gather [hbm4b:s11+s3], $0x80, v2, vm0, $0xb8;
	[tilespmem:$0x10400] =	vst v63  }
0x7b: {  	s4 =	simm.s32 @!p0 $0x8  }
0x7c: {  	_ =	swait.ge @!p0 [sflag:s4], $0x4000  }
0x7d: {  	[sflag:s4] =	ssyncset.done @!p0 $0x0  }
0x7e: {  	[sflag:s4] =	ssyncadd.s32 @!p0 $0xFFFFC000  }
0x7f: {  	v2 =	vld.msk [tilespmem:s31+$0x8], $0xff;
	_ =	sdelay $0x4  }
0x80: {  	v3 =	vshll.u32 v2, $0x4  }
0x81: {  	v2 =	vand.u32 $0x7, v2;
	v3 =	vand.u32 $0xFFFFFF80, v3  }
0x82: {  	v2 =	vor.u32 v2, v3  }
0x83: {  	v2 =	vperm.xlane v2, v0;
	_ =	sdelay $0x1  }
0x84: {  	v2 =	vadd.s32 v1, v2;
	_ =	sdelay $0x4  }
0x85: {  	[tilespmem:s19], [sflag:$0x4] =	stream.indirect_vreg.gather [hbm4b:s1+s3], $0x80, v2, vm0, $0xb8;
	[tilespmem:$0x10400] =	vst v63  }
0x86: {  	s4 =	rddreg [dreg:$0x1a]  }
0x87: {  	[tilespmem:s4], [sflag:$0x4] =	stream.indirect_vreg.gather [hbm4b:s5+s3], $0x80, v2, vm0, $0xb8;
	[tilespmem:$0x10400] =	vst v63  }
0x88: {  	s12 =	rddreg [dreg:$0x1b]  }
0x89: {  	[tilespmem:s12], [sflag:$0x4] =	stream.indirect_vreg.gather [hbm4b:s6+s3], $0x80, v2, vm0, $0xb8;
	[tilespmem:$0x10400] =	vst v63  }
0x8a: {  	s4 =	rddreg [dreg:$0x1c]  }
0x8b: {  	[tilespmem:s4], [sflag:$0x4] =	stream.indirect_vreg.gather [hbm4b:s7+s3], $0x80, v2, vm0, $0xb8;
	[tilespmem:$0x10400] =	vst v63  }
0x8c: {  	s12 =	rddreg [dreg:$0x1d]  }
0x8d: {  	[tilespmem:s12], [sflag:$0x4] =	stream.indirect_vreg.gather [hbm4b:s8+s3], $0x80, v2, vm0, $0xb8;
	[tilespmem:$0x10400] =	vst v63  }
0x8e: {  	_ = 	snop  }
0x8f: {  	[tilespmem:s20], [sflag:$0x4] =	stream.indirect_vreg.gather [hbm4b:s9+s3], $0x80, v2, vm0, $0xb8;
	[tilespmem:$0x10400] =	vst v63  }
0x90: {  	_ = 	snop  }
0x91: {  	[tilespmem:s21], [sflag:$0x4] =	stream.indirect_vreg.gather [hbm4b:s10+s3], $0x80, v2, vm0, $0xb8;
	[tilespmem:$0x10400] =	vst v63  }
0x92: {  	_ = 	snop  }
0x93: {  	[tilespmem:s22], [sflag:$0x4] =	stream.indirect_vreg.gather [hbm4b:s11+s3], $0x80, v2, vm0, $0xb8;
	[tilespmem:$0x10400] =	vst v63  }
0x94: {  	_ =	swait.ge [sflag:s23], $0x4000  }
0x95: {  	s0 =	sadd.s32 $0x2000, s0;
	[sflag:s23] =	ssyncset.done $0x0  }
0x96: {  	p0 =	sne.s32 s0, $0x40000;
	s12 =	sadd.s32 $0x1000, s2;
	[sflag:s23] =	ssyncadd.s32 $0xFFFFC000  }
0x97: {  	[hbm4b:s12+s3] =	stream.linear.scatter [tilespmem:s18], [sflag:$0x7], $0x4000, $0x38;
	[tilespmem:$0x10400] =	vst v63  }
.Ltmp0:
0x98: {  	_ = 	snop;
	(pc) =	sbr.rel @p0 .LBB2_2-.Ltmp0, $4  }
0x99: {  	_ =	swait.ge [sflag:s24], $0x4000  }
0x9a: {  	[sflag:s24] =	ssyncset.done $0x0  }
0x9b: {  	s31 =	sadd.s32 $0x20, s31;
	s2 =	sadd.s32 $0x1800, s2;
	[sflag:s24] =	ssyncadd.s32 $0xFFFFC000  }
0x9c: {  	[hbm4b:s2+s3] =	stream.linear.scatter [tilespmem:s19], [sflag:$0x8], $0x4000, $0x38;
	[tilespmem:$0x10400] =	vst v63  }
0x9d: {  	_ =	swait.ge [sflag:s25], $0x4000  }
0x9e: {  	[sflag:s25] =	ssyncset.done $0x0  }
0x9f: {  	[sflag:s25] =	ssyncadd.s32 $0xFFFFC000  }
0xa0: {  	_ =	swait.ge [sflag:s26], $0x4000  }
0xa1: {  	[sflag:s26] =	ssyncset.done $0x0  }
0xa2: {  	[sflag:s26] =	ssyncadd.s32 $0xFFFFC000  }
0xa3: {  	_ =	swait.ge [sflag:s28], $0x4000  }
0xa4: {  	[sflag:s28] =	ssyncset.done $0x0  }
0xa5: {  	[sflag:s28] =	ssyncadd.s32 $0xFFFFC000  }
0xa6: {  	_ =	swait.ge [sflag:s29], $0x4000  }
0xa7: {  	s30 =	sadd.s32 $0x1, s30;
	s0 =	rddreg [dreg:$0x1f]  }
0xa8: {  	p0 =	sne.s32 s30, s0  }
.Ltmp1:
0xa9: {  	_ = 	snop;
	(pc) =	sbr.rel @p0 .LBB2_1-.Ltmp1, $3  }
0xaa: {  	_ =	sdelay $0x1  }
0xab: {  	[sflag:s29] =	ssyncset.done $0x0  }
0xac: {  	[sflag:s29] =	ssyncadd.s32 $0xFFFFC000  }
0xad: {  	_ =	sfence.sel $0x180000  }
0xae: {  	[bflag:$0x0] =	sbarrier.arrive $0xFFFF  }
0xaf: {  	_ =	strace $0x90000047  }
0xb0: {  	s0 =	stileid.u32;
	[bflag:$0x2] =	sbarrier.arrive $0xFFFF  }
0xb1: {  	p0 =	sne.s32 s0, $0x0;
	s0 =	rddreg [dreg:$0x3]  }
0xb2: {  	s0 =	sadd.s32 @!p0 $0x100000, s0  }
0xb3: {  	[sflag:s0] =	ssyncadd.tile.s32 @!p0 $0x1;
	_ =	shalt  }
.Lfunc_end2:
_tile_overlayer_lowered:
.L_overlay_start_2:
0xb4: {  	(tag) =	ssettag $0x2  }
0xb5: {  	s0 =	rddreg [dreg:$0x0];
	s2 =	stileid.u32  }
0xb6: {  	s1 =	rddreg [dreg:$0x1];
	p0 =	sne.s32 s2, $0x0  }
0xb7: {  	s3 =	rddreg [dreg:$0x2];
	[bflag:$0x3] =	sbarrier.arrive $0xFFFF;
	s2 =	simm.s32 @!p0 $0x1C09  }
0xb8: {  	[timem:s3], [sflag:s2] =	dma.local @!p0 [hbm:s0], s1  }
0xb9: {  	s0 =	simm.s32 @!p0 $0x9  }
0xba: {  	_ =	swait.ge @!p0 [sflag:s0], s1  }
0xbb: {  	s1 =	ssub.s32 @!p0 $0x0, s1;
	[sflag:s0] =	ssyncset.done @!p0 $0x0  }
0xbc: {  	[sflag:s0] =	ssyncadd.s32 @!p0 s1  }
0xbd: {  	[bflag:$0x3] =	sbarrier.arrive $0xFFFF  }
0xbe: {  	_ =	shalt  }

</sc_bundles>
